<compile_context>
chip_gen: v7x
topology: tpu7x:2x2x1
jax: 0.10.2.dev20260603
libtpu: 0.0.44.dev20260713+nightly
codegen_flags: <defaults>
</compile_context>

<pallas_src>
import functools

import numpy as np
import jax
import jax.numpy as jnp
from jax import lax
from jax.experimental import pallas as pl
from jax.experimental.pallas import tpu as pltpu
from jax.experimental.pallas import tpu_sc as plsc

_B = 4096
_NTAB = 26
_V = 100000
_VP = 102400
_D = 64
_NI = _NTAB + 1
_NPAIR = _NI * (_NI - 1) // 2
_PPAD = 352

_VC = 51200
_NVC = _VP // _VC

_NW = 32
_TTC = _NTAB

_BLK = 1024
_NBLK = _B // _BLK

_li = np.array([i for i in range(_NI) for j in range(i)], dtype=np.int64)
_lj = np.array([j for i in range(_NI) for j in range(i)], dtype=np.int64)
_Pli_np = np.zeros((_PPAD, 32), dtype=np.float32)
_Plj_np = np.zeros((_PPAD, 32), dtype=np.float32)
_Pli_np[np.arange(_NPAIR), _li] = 1.0
_Plj_np[np.arange(_NPAIR), _lj] = 1.0



def _sc_hist(idx_flat):
    mesh = plsc.VectorSubcoreMesh(core_axis_name="c", subcore_axis_name="s")

    @functools.partial(
        pl.kernel,
        out_type=jax.ShapeDtypeStruct((_NTAB * _VP,), jnp.float32),
        mesh=mesh,
        scratch_types=[
            pltpu.VMEM((_B,), jnp.int32),
            pltpu.VMEM((_VP,), jnp.float32),
        ],
        compiler_params=pltpu.CompilerParams(use_tc_tiling_on_sc=False,
                                             needs_layout_passes=False),
    )
    def k(idx_hbm, out_hbm, idx_v, hist_v):
        nc = jax.lax.axis_size("c")
        wid = lax.axis_index("s") * nc + lax.axis_index("c")

        @pl.when(wid < _NTAB)
        def _():
            pltpu.sync_copy(idx_hbm.at[pl.ds(wid * _B, _B)], idx_v)
            zero = jnp.zeros((16,), jnp.float32)

            def zero_body(i, _):
                for u in range(8):
                    hist_v[pl.ds(i * 128 + u * 16, 16)] = zero
                return 0

            lax.fori_loop(0, _VP // 128, zero_body, 0)
            ones = jnp.ones((16,), jnp.float32)

            def add_body(i, _):
                idxv = idx_v[pl.ds(i * 16, 16)]
                plsc.addupdate_scatter(hist_v, [idxv], ones)
                return 0

            lax.fori_loop(0, _B // 16, add_body, 0)
            pltpu.sync_copy(hist_v, out_hbm.at[pl.ds(wid * _VP, _VP)])

    return k(idx_flat)



def _pool_body(embt_ref, w_ref, out_ref):
    vc = pl.program_id(1)
    a = embt_ref[...][0]
    w = w_ref[...][0]
    valid = _V - vc * _VC
    lane = lax.broadcasted_iota(jnp.int32, (_D, _VC), 1)
    am = jnp.where(lane < valid, a, 0.0)
    part = lax.dot_general(w, am, (((1,), (1,)), ((), ())))

    @pl.when(vc == 0)
    def _():
        out_ref[...] = jnp.zeros((1, 1, _D), jnp.float32)

    out_ref[...] += part.reshape(1, 1, _D)


def _tc_pool(embt, w):
    return pl.pallas_call(
        _pool_body,
        grid=(_TTC, _NVC),
        in_specs=[
            pl.BlockSpec((1, _D, _VC), lambda t, vc: (t, 0, vc)),
            pl.BlockSpec((1, 1, _VC), lambda t, vc: (t, 0, vc)),
        ],
        out_specs=pl.BlockSpec((1, 1, _D), lambda t, vc: (t, 0, 0)),
        out_shape=jax.ShapeDtypeStruct((_TTC, 1, _D), jnp.float32),
    )(embt, w)



def _tc_body(dx_ref, pooled_ref, bW0_ref, bb0_ref, bW1_ref, bb1_ref, bW2_ref,
             bb2_ref, tW0a_ref, tb0_ref, w2t_ref, tW1_ref, tb1_ref, tW2_ref,
             tb2_ref, pli_ref, plj_ref, out_ref):
    f32 = jnp.float32
    cdim = (((1,), (1,)), ((), ()))

    x0 = dx_ref[...]
    h = jnp.maximum(lax.dot_general(x0, bW0_ref[...], cdim) + bb0_ref[...], 0.0)
    h = jnp.maximum(lax.dot_general(h, bW1_ref[...], cdim) + bb1_ref[...], 0.0)
    x = jnp.maximum(lax.dot_general(h, bW2_ref[...], cdim) + bb2_ref[...], 0.0)
    t1 = lax.dot_general(x, tW0a_ref[...], cdim) + tb0_ref[...]

    xl = x[_BLK - 1:_BLK, :]
    t32 = jnp.concatenate(
        [xl, pooled_ref[...], jnp.zeros((32 - 1 - _NTAB, _D), f32)], axis=0)
    a = lax.dot_general(pli_ref[...], t32, (((1,), (0,)), ((), ())))
    b = lax.dot_general(plj_ref[...], t32, (((1,), (0,)), ((), ())))
    s = a * b
    c = lax.dot_general(s, w2t_ref[...], (((0,), (0,)), ((), ())))
    corr = lax.dot_general(jnp.ones((1, _D), f32), c,
                           (((1,), (0,)), ((), ())))
    is_last = (pl.program_id(0) == pl.num_programs(0) - 1).astype(f32)
    rowmask = (lax.broadcasted_iota(jnp.int32, (_BLK, 512), 0)
               == _BLK - 1).astype(f32)
    t1 = t1 + rowmask * jnp.broadcast_to(corr * is_last, (_BLK, 512))

    a1 = jnp.maximum(t1, 0.0)
    a2 = jnp.maximum(lax.dot_general(a1, tW1_ref[...], cdim) + tb1_ref[...], 0.0)
    logits = lax.dot_general(a2, tW2_ref[...], cdim) + tb2_ref[...]
    p = 1.0 / (1.0 + jnp.exp(-logits))
    out_ref[...] = p[:, 0:1]


def _tc_forward(dx, pooled, bW0p, bb0, bW1, bb1, bW2, bb2, tW0a, tb0, w2t,
                tW1, tb1, tW2, tb2, pli, plj):
    full = lambda shape: pl.BlockSpec(shape, lambda i: (0, 0))
    return pl.pallas_call(
        _tc_body,
        grid=(_NBLK,),
        in_specs=[
            pl.BlockSpec((_BLK, 128), lambda i: (i, 0)),
            full((_NTAB, _D)),
            full((512, 128)), full((1, 512)),
            full((256, 512)), full((1, 256)),
            full((64, 256)), full((1, 64)),
            full((512, 64)), full((1, 512)),
            full((_PPAD, 512)),
            full((256, 512)), full((1, 256)),
            full((128, 256)), full((1, 128)),
            full((_PPAD, 32)), full((_PPAD, 32)),
        ],
        out_specs=pl.BlockSpec((_BLK, 1), lambda i: (i, 0)),
        out_shape=jax.ShapeDtypeStruct((_B, 1), jnp.float32),
    )(dx, pooled, bW0p, bb0, bW1, bb1, bW2, bb2, tW0a, tb0, w2t, tW1, tb1,
      tW2, tb2, pli, plj)


def kernel(dense_x, emb, bW0, bb0, bW1, bb1, bW2, bb2, tW0, tb0, tW1, tb1,
           tW2, tb2, lS_o, lS_i):
    idx_flat = lS_i.reshape(-1)
    w_flat = _sc_hist(idx_flat)
    embt = jnp.transpose(emb, (0, 2, 1))
    pooled = _tc_pool(embt, w_flat.reshape(_NTAB, 1, _VP)).reshape(_TTC, _D)

    dx = jnp.pad(dense_x, ((0, 0), (0, 128 - 13)))
    bW0p = jnp.pad(bW0, ((0, 0), (0, 128 - 13)))
    tW0a = tW0[:, :_D]
    w2t = jnp.pad(tW0[:, _D:].T, ((0, _PPAD - _NPAIR), (0, 0)))
    tW2p = jnp.pad(tW2, ((0, 127), (0, 0)))
    tb2p = jnp.pad(tb2.reshape(1, 1), ((0, 0), (0, 127)))

    return _tc_forward(
        dx, pooled, bW0p, bb0.reshape(1, -1), bW1, bb1.reshape(1, -1),
        bW2, bb2.reshape(1, -1), tW0a, tb0.reshape(1, -1), w2t,
        tW1, tb1.reshape(1, -1), tW2p, tb2p,
        jnp.asarray(_Pli_np), jnp.asarray(_Plj_np))

# --- scband reference (transcript-rebuilt; emitter-appended) ---
"""Pipeline reference for scband-dlrm-net-60301340835920 (READ-ONLY COPY).

The authoritative reference and input builder live on the scoring server;
editing this copy changes nothing except your own understanding.
"""

import jax, jax.numpy as jnp
import numpy as np

B = 4096
NTAB = 26
V = 100000
D = 64
BOT = [13, 512, 256, 64]
TOP = [415, 512, 256, 1]


def _mlp_params(key, dims):
    params = []
    for i in range(len(dims) - 1):
        n, m = dims[i], dims[i + 1]
        kW, kb, key = jax.random.split(key, 3)
        W = jax.random.normal(kW, (m, n), dtype=jnp.float32) * np.sqrt(2.0 / (m + n))
        b = jax.random.normal(kb, (m,), dtype=jnp.float32) * np.sqrt(1.0 / m)
        params.append((W, b))
    return params


def setup_inputs(seed: int = 0) -> dict:
    key = jax.random.key(seed)
    k0, k1, k2, k3, k4 = jax.random.split(key, 5)
    dense_x = jax.random.normal(k0, (B, 13), dtype=jnp.float32)
    lS_o = jnp.zeros((NTAB, B), dtype=jnp.int32)
    lS_i = jax.random.randint(k1, (NTAB, B), 0, V, dtype=jnp.int32)
    bound = float(np.sqrt(1.0 / V))
    emb = jax.random.uniform(k2, (NTAB, V, D), minval=-bound, maxval=bound, dtype=jnp.float32)
    bot = _mlp_params(k3, BOT)
    top = _mlp_params(k4, TOP)
    inp = {"dense_x": dense_x, "emb": emb}
    for i, (W, b) in enumerate(bot):
        inp["bW%d" % i] = W
        inp["bb%d" % i] = b
    for i, (W, b) in enumerate(top):
        inp["tW%d" % i] = W
        inp["tb%d" % i] = b
    inp["lS_o"] = lS_o
    inp["lS_i"] = lS_i
    return inp


def _embedding_bag_sum(table, idx, off):
    # torch.nn.EmbeddingBag(mode='sum'): bag j pools indices[off[j]:off[j+1]] (last bag runs to end)
    g = jnp.take(table, idx, axis=0)
    seg = jnp.searchsorted(off, jnp.arange(idx.shape[0]), side='right') - 1
    return jax.ops.segment_sum(g, seg, num_segments=off.shape[0])


def _forward(dense_x, emb, bW0, bb0, bW1, bb1, bW2, bb2, tW0, tb0, tW1, tb1, tW2, tb2, lS_o, lS_i):
    # bottom MLP (sigmoid_bot=-1 -> all ReLU)
    x = jax.nn.relu(dense_x @ bW0.T + bb0)
    x = jax.nn.relu(x @ bW1.T + bb1)
    x = jax.nn.relu(x @ bW2.T + bb2)
    # embedding bags (apply_emb)
    ly = jax.vmap(_embedding_bag_sum)(emb, lS_i, lS_o)  # [NTAB, B, D]
    # interact_features: dot-product interactions, strictly lower triangle
    T = jnp.transpose(jnp.concatenate([x[None], ly], axis=0), (1, 0, 2))  # [B, NTAB+1, D]
    Z = jnp.einsum('bnd,bmd->bnm', T, T)
    ni = NTAB + 1
    li = np.array([i for i in range(ni) for j in range(i)])
    lj = np.array([j for i in range(ni) for j in range(i)])
    Zflat = Z[:, li, lj]
    R = jnp.concatenate([x, Zflat], axis=1)  # [B, 64 + 351] = [B, 415]
    # top MLP (sigmoid_top=2 -> ReLU, ReLU, Sigmoid)
    p = jax.nn.relu(R @ tW0.T + tb0)
    p = jax.nn.relu(p @ tW1.T + tb1)
    p = jax.nn.sigmoid(p @ tW2.T + tb2)
    # loss_threshold == 0.0 -> no clamp
    return p


def reference(dense_x, emb, bW0, bb0, bW1, bb1, bW2, bb2, tW0, tb0, tW1, tb1, tW2, tb2, lS_o, lS_i):
    return _forward(dense_x, emb, bW0, bb0, bW1, bb1, bW2, bb2, tW0, tb0, tW1, tb1, tW2, tb2, lS_o, lS_i)

if __name__ == "__main__":
    import jax
    _d = setup_inputs()
    print(jax.jit(kernel)(*tuple(_d.values())))

</pallas_src>

<mosaic_0001>
#map = affine_map<(d0, d1) -> (0)>
module attributes {stable_mosaic.version = 14 : i64} {
  func.func @k(%arg0: i32, %arg1: i32, %arg2: memref<106496xi32, #tpu.memory_space<hbm>>, %arg3: memref<2662400xf32, #tpu.memory_space<hbm>>, %arg4: memref<4096xi32, #tpu.memory_space<vmem>>, %arg5: memref<102400xf32, #tpu.memory_space<vmem>>) attributes {dimension_semantics = [#tpu.dimension_semantics<core_parallel>, #tpu.dimension_semantics<subcore_parallel>], iteration_bounds = array<i64: 2, 16>, scalar_prefetch = 0 : i64, scratch_operands = 2 : i64, tpu.core_type = #tpu.core_type<sc_vector_subcore>, window_params = [{transform_indices = #map}, {transform_indices = #map}]} {
    %mul3A = arith.constant 2 : i32
    %mul3A_0 = arith.muli %arg1, %mul3A : i32
    %add3A = arith.addi %mul3A_0, %arg0 : i32
    %lt3A = arith.constant 26 : i32
    %lt3A_1 = arith.cmpi slt, %add3A, %lt3A : i32
    %convert_element_type3A = arith.extui %lt3A_1 : i1 to i32
    %cond3A = arith.constant 0 : i32
    %cond3A_2 = arith.cmpi ne, %convert_element_type3A, %cond3A : i32
    scf.if %cond3A_2 {
      %mul3A_3 = arith.constant 4096 : i32
      %mul3A_4 = arith.muli %add3A, %mul3A_3 : i32
      "tpu.region"() ({
        %run_scoped3A = tpu.sem_alloc : memref<!tpu.dma_semaphore, #tpu.memory_space<semaphore_mem>>
        %dma_start3A = tpu.memref_slice %arg2[%mul3A_4] : memref<106496xi32, #tpu.memory_space<hbm>> -> memref<4096xi32, #tpu.memory_space<hbm>>
        %dma_start3A_23 = tpu.memref_slice %arg2[%mul3A_4] : memref<106496xi32, #tpu.memory_space<hbm>> -> memref<4096xi32, #tpu.memory_space<hbm>>
        tpu.enqueue_dma source(%dma_start3A_23 : memref<4096xi32, #tpu.memory_space<hbm>>) target(%arg4 : memref<4096xi32, #tpu.memory_space<vmem>>) target_semaphore(%run_scoped3A : memref<!tpu.dma_semaphore, #tpu.memory_space<semaphore_mem>>)
        %dma_wait3A = tpu.memref_slice %arg2[%mul3A_4] : memref<106496xi32, #tpu.memory_space<hbm>> -> memref<4096xi32, #tpu.memory_space<hbm>>
        %dma_wait3A_24 = tpu.memref_slice %arg2[%mul3A_4] : memref<106496xi32, #tpu.memory_space<hbm>> -> memref<4096xi32, #tpu.memory_space<hbm>>
        tpu.wait_dma2 semaphore(%run_scoped3A : memref<!tpu.dma_semaphore, #tpu.memory_space<semaphore_mem>>) src(%dma_wait3A_24 : memref<4096xi32, #tpu.memory_space<hbm>>) dst(%arg4 : memref<4096xi32, #tpu.memory_space<vmem>>)
        tpu.yield
      }) : () -> ()
      %broadcast_in_dim3A = arith.constant 0.000000e+00 : f32
      %broadcast_in_dim3A_5 = vector.broadcast %broadcast_in_dim3A : f32 to vector<16xf32>
      %scan3A = arith.constant 0 : i32
      %scan3A_6 = arith.constant 0 : i32
      %scan3A_7 = arith.constant 800 : i32
      %scan3A_8 = arith.addi %scan3A_6, %scan3A_7 : i32
      %scan3A_9 = arith.constant 1 : i32
      %scan3A_10 = scf.for %scan3A_23 = %scan3A_6 to %scan3A_8 step %scan3A_9 iter_args(%scan3A_24 = %scan3A) -> (i32)  : i32 {
        %mul3A_25 = arith.constant 128 : i32
        %mul3A_26 = arith.muli %scan3A_23, %mul3A_25 : i32
        %add3A_27 = arith.constant 0 : i32
        %add3A_28 = arith.addi %mul3A_26, %add3A_27 : i32
        %swap3A = arith.index_cast %add3A_28 : i32 to index
        %swap3A_29 = tpu.vector_load %arg5[%swap3A] {strides = array<i32>} : memref<102400xf32, #tpu.memory_space<vmem>>, vector<16xf32>,
        tpu.vector_store %arg5[%swap3A], %broadcast_in_dim3A_5 {strides = array<i32>} : memref<102400xf32, #tpu.memory_space<vmem>>, vector<16xf32>,
        %mul3A_30 = arith.constant 128 : i32
        %mul3A_31 = arith.muli %scan3A_23, %mul3A_30 : i32
        %add3A_32 = arith.constant 16 : i32
        %add3A_33 = arith.addi %mul3A_31, %add3A_32 : i32
        %swap3A_34 = arith.index_cast %add3A_33 : i32 to index
        %swap3A_35 = tpu.vector_load %arg5[%swap3A_34] {strides = array<i32>} : memref<102400xf32, #tpu.memory_space<vmem>>, vector<16xf32>,
        tpu.vector_store %arg5[%swap3A_34], %broadcast_in_dim3A_5 {strides = array<i32>} : memref<102400xf32, #tpu.memory_space<vmem>>, vector<16xf32>,
        %mul3A_36 = arith.constant 128 : i32
        %mul3A_37 = arith.muli %scan3A_23, %mul3A_36 : i32
        %add3A_38 = arith.constant 32 : i32
        %add3A_39 = arith.addi %mul3A_37, %add3A_38 : i32
        %swap3A_40 = arith.index_cast %add3A_39 : i32 to index
        %swap3A_41 = tpu.vector_load %arg5[%swap3A_40] {strides = array<i32>} : memref<102400xf32, #tpu.memory_space<vmem>>, vector<16xf32>,
        tpu.vector_store %arg5[%swap3A_40], %broadcast_in_dim3A_5 {strides = array<i32>} : memref<102400xf32, #tpu.memory_space<vmem>>, vector<16xf32>,
        %mul3A_42 = arith.constant 128 : i32
        %mul3A_43 = arith.muli %scan3A_23, %mul3A_42 : i32
        %add3A_44 = arith.constant 48 : i32
        %add3A_45 = arith.addi %mul3A_43, %add3A_44 : i32
        %swap3A_46 = arith.index_cast %add3A_45 : i32 to index
        %swap3A_47 = tpu.vector_load %arg5[%swap3A_46] {strides = array<i32>} : memref<102400xf32, #tpu.memory_space<vmem>>, vector<16xf32>,
        tpu.vector_store %arg5[%swap3A_46], %broadcast_in_dim3A_5 {strides = array<i32>} : memref<102400xf32, #tpu.memory_space<vmem>>, vector<16xf32>,
        %mul3A_48 = arith.constant 128 : i32
        %mul3A_49 = arith.muli %scan3A_23, %mul3A_48 : i32
        %add3A_50 = arith.constant 64 : i32
        %add3A_51 = arith.addi %mul3A_49, %add3A_50 : i32
        %swap3A_52 = arith.index_cast %add3A_51 : i32 to index
        %swap3A_53 = tpu.vector_load %arg5[%swap3A_52] {strides = array<i32>} : memref<102400xf32, #tpu.memory_space<vmem>>, vector<16xf32>,
        tpu.vector_store %arg5[%swap3A_52], %broadcast_in_dim3A_5 {strides = array<i32>} : memref<102400xf32, #tpu.memory_space<vmem>>, vector<16xf32>,
        %mul3A_54 = arith.constant 128 : i32
        %mul3A_55 = arith.muli %scan3A_23, %mul3A_54 : i32
        %add3A_56 = arith.constant 80 : i32
        %add3A_57 = arith.addi %mul3A_55, %add3A_56 : i32
        %swap3A_58 = arith.index_cast %add3A_57 : i32 to index
        %swap3A_59 = tpu.vector_load %arg5[%swap3A_58] {strides = array<i32>} : memref<102400xf32, #tpu.memory_space<vmem>>, vector<16xf32>,
        tpu.vector_store %arg5[%swap3A_58], %broadcast_in_dim3A_5 {strides = array<i32>} : memref<102400xf32, #tpu.memory_space<vmem>>, vector<16xf32>,
        %mul3A_60 = arith.constant 128 : i32
        %mul3A_61 = arith.muli %scan3A_23, %mul3A_60 : i32
        %add3A_62 = arith.constant 96 : i32
        %add3A_63 = arith.addi %mul3A_61, %add3A_62 : i32
        %swap3A_64 = arith.index_cast %add3A_63 : i32 to index
        %swap3A_65 = tpu.vector_load %arg5[%swap3A_64] {strides = array<i32>} : memref<102400xf32, #tpu.memory_space<vmem>>, vector<16xf32>,
        tpu.vector_store %arg5[%swap3A_64], %broadcast_in_dim3A_5 {strides = array<i32>} : memref<102400xf32, #tpu.memory_space<vmem>>, vector<16xf32>,
        %mul3A_66 = arith.constant 128 : i32
        %mul3A_67 = arith.muli %scan3A_23, %mul3A_66 : i32
        %add3A_68 = arith.constant 112 : i32
        %add3A_69 = arith.addi %mul3A_67, %add3A_68 : i32
        %swap3A_70 = arith.index_cast %add3A_69 : i32 to index
        %swap3A_71 = tpu.vector_load %arg5[%swap3A_70] {strides = array<i32>} : memref<102400xf32, #tpu.memory_space<vmem>>, vector<16xf32>,
        tpu.vector_store %arg5[%swap3A_70], %broadcast_in_dim3A_5 {strides = array<i32>} : memref<102400xf32, #tpu.memory_space<vmem>>, vector<16xf32>,
        %scan3A_72 = arith.constant 0 : i32
        scf.yield %scan3A_72 : i32
      }
      %scan3A_11 = arith.constant 800 : i32
      %broadcast_in_dim3A_12 = arith.constant 1.000000e+00 : f32
      %broadcast_in_dim3A_13 = vector.broadcast %broadcast_in_dim3A_12 : f32 to vector<16xf32>
      %scan3A_14 = arith.constant 0 : i32
      %scan3A_15 = arith.constant 0 : i32
      %scan3A_16 = arith.constant 256 : i32
      %scan3A_17 = arith.addi %scan3A_15, %scan3A_16 : i32
      %scan3A_18 = arith.constant 1 : i32
      %scan3A_19 = scf.for %scan3A_23 = %scan3A_15 to %scan3A_17 step %scan3A_18 iter_args(%scan3A_24 = %scan3A_14) -> (i32)  : i32 {
        %mul3A_25 = arith.constant 16 : i32
        %mul3A_26 = arith.muli %scan3A_23, %mul3A_25 : i32
        %get3A = arith.index_cast %mul3A_26 : i32 to index
        %get3A_27 = tpu.vector_load %arg4[%get3A] {strides = array<i32>} : memref<4096xi32, #tpu.memory_space<vmem>>, vector<16xi32>,
        tpu.vector_store_idx %arg5[%get3A_27], %broadcast_in_dim3A_13 {add = true} : memref<102400xf32, #tpu.memory_space<vmem>>[vector<16xi32>], vector<16xf32>,
        %scan3A_28 = arith.constant 0 : i32
        scf.yield %scan3A_28 : i32
      }
      %scan3A_20 = arith.constant 256 : i32
      %mul3A_21 = arith.constant 102400 : i32
      %mul3A_22 = arith.muli %add3A, %mul3A_21 : i32
      "tpu.region"() ({
        %run_scoped3A = tpu.sem_alloc : memref<!tpu.dma_semaphore, #tpu.memory_space<semaphore_mem>>
        %dma_start3A = tpu.memref_slice %arg3[%mul3A_22] : memref<2662400xf32, #tpu.memory_space<hbm>> -> memref<102400xf32, #tpu.memory_space<hbm>>
        %dma_start3A_23 = tpu.memref_slice %arg3[%mul3A_22] : memref<2662400xf32, #tpu.memory_space<hbm>> -> memref<102400xf32, #tpu.memory_space<hbm>>
        tpu.enqueue_dma source(%arg5 : memref<102400xf32, #tpu.memory_space<vmem>>) target(%dma_start3A_23 : memref<102400xf32, #tpu.memory_space<hbm>>) target_semaphore(%run_scoped3A : memref<!tpu.dma_semaphore, #tpu.memory_space<semaphore_mem>>)
        %dma_wait3A = tpu.memref_slice %arg3[%mul3A_22] : memref<2662400xf32, #tpu.memory_space<hbm>> -> memref<102400xf32, #tpu.memory_space<hbm>>
        %dma_wait3A_24 = tpu.memref_slice %arg3[%mul3A_22] : memref<2662400xf32, #tpu.memory_space<hbm>> -> memref<102400xf32, #tpu.memory_space<hbm>>
        tpu.wait_dma2 semaphore(%run_scoped3A : memref<!tpu.dma_semaphore, #tpu.memory_space<semaphore_mem>>) src(%arg5 : memref<102400xf32, #tpu.memory_space<vmem>>) dst(%dma_wait3A_24 : memref<102400xf32, #tpu.memory_space<hbm>>)
        tpu.yield
      }) : () -> ()
    } else {
    }
    return
  }
}

module attributes {stable_mosaic.version = 14 : i64} {
  func.func @_pool_body(%arg0: i32, %arg1: i32, %arg2: memref<1x64x51200xf32, #tpu.memory_space<vmem>>, %arg3: memref<1x1x51200xf32, #tpu.memory_space<vmem>>, %arg4: memref<1x1x64xf32, #tpu.memory_space<vmem>>) attributes {dimension_semantics = [#tpu.dimension_semantics<arbitrary>, #tpu.dimension_semantics<arbitrary>], iteration_bounds = array<i64: 26, 2>, scalar_prefetch = 0 : i64, scratch_operands = 0 : i64, tpu.core_type = #tpu.core_type<tc>, window_params = [{transform_indices = @transform_0, window_bounds = array<i64: 1, 64, 51200>}, {transform_indices = @transform_1, window_bounds = array<i64: 1, 1, 51200>}, {transform_indices = @transform_2, window_bounds = array<i64: 1, 1, 64>}]} {
    %get3A = arith.constant 0 : index
    %get3A_0 = arith.constant 0 : index
    %get3A_1 = arith.constant 0 : index
    %get3A_2 = vector.load %arg2[%get3A, %get3A_0, %get3A_1] : memref<1x64x51200xf32, #tpu.memory_space<vmem>>, vector<1x64x51200xf32>
    %squeeze3A = vector.shape_cast %get3A_2 : vector<1x64x51200xf32> to vector<64x51200xf32>
    %get3A_3 = arith.constant 0 : index
    %get3A_4 = arith.constant 0 : index
    %get3A_5 = arith.constant 0 : index
    %get3A_6 = vector.load %arg3[%get3A_3, %get3A_4, %get3A_5] : memref<1x1x51200xf32, #tpu.memory_space<vmem>>, vector<1x1x51200xf32>
    %squeeze3A_7 = vector.shape_cast %get3A_6 : vector<1x1x51200xf32> to vector<1x51200xf32>
    %mul3A = arith.constant 51200 : i32
    %mul3A_8 = arith.muli %arg1, %mul3A : i32
    %sub3A = arith.constant 100000 : i32
    %sub3A_9 = arith.subi %sub3A, %mul3A_8 : i32
    %iota3A = tpu.iota {dimensions = array<i32: 1>} : vector<64x51200xi32>
    %lt3A = vector.broadcast %sub3A_9 : i32 to vector<64x51200xi32>
    %lt3A_10 = arith.cmpi slt, %iota3A, %lt3A : vector<64x51200xi32>
    %jit3A = arith.constant 0.000000e+00 : f32
    %broadcast_in_dim3A = vector.broadcast %jit3A : f32 to vector<64x51200xf32>
    %select_n3A = arith.select %lt3A_10, %squeeze3A, %broadcast_in_dim3A : vector<64x51200xi1>, vector<64x51200xf32>
    %dot_general3A = arith.constant dense<0.000000e+00> : vector<1x64xf32>
    %dot_general3A_11 = tpu.matmul %squeeze3A_7, %select_n3A, %dot_general3A {dimension_numbers = #tpu.dot_dimension_numbers<[1], [1], [0], [0], [0, 0, 1, 0], [], []>, transpose_lhs_hint = false} : vector<1x51200xf32>, vector<64x51200xf32>, vector<1x64xf32> -> vector<1x64xf32>
    %eq3A = arith.constant 0 : i32
    %eq3A_12 = arith.cmpi eq, %arg1, %eq3A : i32
    %convert_element_type3A = arith.extui %eq3A_12 : i1 to i32
    %cond3A = arith.constant 0 : i32
    %cond3A_13 = arith.cmpi ne, %convert_element_type3A, %cond3A : i32
    scf.if %cond3A_13 {
      %broadcast_in_dim3A_21 = arith.constant 0.000000e+00 : f32
      %broadcast_in_dim3A_22 = vector.broadcast %broadcast_in_dim3A_21 : f32 to vector<1x1x64xf32>
      %swap3A_23 = arith.constant 0 : index
      %swap3A_24 = arith.constant 0 : index
      %swap3A_25 = arith.constant 0 : index
      %swap3A_26 = vector.load %arg4[%swap3A_23, %swap3A_24, %swap3A_25] : memref<1x1x64xf32, #tpu.memory_space<vmem>>, vector<1x1x64xf32>
      tpu.vector_store %arg4[%swap3A_23, %swap3A_24, %swap3A_25], %broadcast_in_dim3A_22 {strides = array<i32>} : memref<1x1x64xf32, #tpu.memory_space<vmem>>, vector<1x1x64xf32>,
    } else {
    }
    %get3A_14 = arith.constant 0 : index
    %get3A_15 = arith.constant 0 : index
    %get3A_16 = arith.constant 0 : index
    %get3A_17 = vector.load %arg4[%get3A_14, %get3A_15, %get3A_16] : memref<1x1x64xf32, #tpu.memory_space<vmem>>, vector<1x1x64xf32>
    %reshape3A = vector.shape_cast %dot_general3A_11 : vector<1x64xf32> to vector<1x1x64xf32>
    %add3A = arith.addf %get3A_17, %reshape3A : vector<1x1x64xf32>
    %swap3A = arith.constant 0 : index
    %swap3A_18 = arith.constant 0 : index
    %swap3A_19 = arith.constant 0 : index
    %swap3A_20 = vector.load %arg4[%swap3A, %swap3A_18, %swap3A_19] : memref<1x1x64xf32, #tpu.memory_space<vmem>>, vector<1x1x64xf32>
    tpu.vector_store %arg4[%swap3A, %swap3A_18, %swap3A_19], %add3A {strides = array<i32>} : memref<1x1x64xf32, #tpu.memory_space<vmem>>, vector<1x1x64xf32>,
    return
  }
  func.func @transform_0(%arg0: i32, %arg1: i32) -> (i32, i32, i32) {
    %c0_i32 = arith.constant 0 : i32
    %c0_i32_0 = arith.constant 0 : i32
    return %arg0, %c0_i32, %arg1 : i32, i32, i32
  }
  func.func @transform_1(%arg0: i32, %arg1: i32) -> (i32, i32, i32) {
    %c0_i32 = arith.constant 0 : i32
    %c0_i32_0 = arith.constant 0 : i32
    return %arg0, %c0_i32, %arg1 : i32, i32, i32
  }
  func.func @transform_2(%arg0: i32, %arg1: i32) -> (i32, i32, i32) {
    %c0_i32 = arith.constant 0 : i32
    %c0_i32_0 = arith.constant 0 : i32
    %c0_i32_1 = arith.constant 0 : i32
    return %arg0, %c0_i32, %c0_i32_0 : i32, i32, i32
  }
}

module attributes {stable_mosaic.version = 14 : i64} {
  func.func @_tc_body(%arg0: i32, %arg1: memref<1024x128xf32, #tpu.memory_space<vmem>>, %arg2: memref<26x64xf32, #tpu.memory_space<vmem>>, %arg3: memref<512x128xf32, #tpu.memory_space<vmem>>, %arg4: memref<1x512xf32, #tpu.memory_space<vmem>>, %arg5: memref<256x512xf32, #tpu.memory_space<vmem>>, %arg6: memref<1x256xf32, #tpu.memory_space<vmem>>, %arg7: memref<64x256xf32, #tpu.memory_space<vmem>>, %arg8: memref<1x64xf32, #tpu.memory_space<vmem>>, %arg9: memref<512x64xf32, #tpu.memory_space<vmem>>, %arg10: memref<1x512xf32, #tpu.memory_space<vmem>>, %arg11: memref<352x512xf32, #tpu.memory_space<vmem>>, %arg12: memref<256x512xf32, #tpu.memory_space<vmem>>, %arg13: memref<1x256xf32, #tpu.memory_space<vmem>>, %arg14: memref<128x256xf32, #tpu.memory_space<vmem>>, %arg15: memref<1x128xf32, #tpu.memory_space<vmem>>, %arg16: memref<352x32xf32, #tpu.memory_space<vmem>>, %arg17: memref<352x32xf32, #tpu.memory_space<vmem>>, %arg18: memref<1024x1xf32, #tpu.memory_space<vmem>>) attributes {dimension_semantics = [#tpu.dimension_semantics<arbitrary>], iteration_bounds = array<i64: 4>, scalar_prefetch = 0 : i64, scratch_operands = 0 : i64, tpu.core_type = #tpu.core_type<tc>, window_params = [{transform_indices = @transform_0, window_bounds = array<i64: 1024, 128>}, {pipeline_mode = #tpu.pipeline_mode<synchronous>, transform_indices = @transform_1, window_bounds = array<i64: 26, 64>}, {pipeline_mode = #tpu.pipeline_mode<synchronous>, transform_indices = @transform_2, window_bounds = array<i64: 512, 128>}, {pipeline_mode = #tpu.pipeline_mode<synchronous>, transform_indices = @transform_3, window_bounds = array<i64: 1, 512>}, {pipeline_mode = #tpu.pipeline_mode<synchronous>, transform_indices = @transform_4, window_bounds = array<i64: 256, 512>}, {pipeline_mode = #tpu.pipeline_mode<synchronous>, transform_indices = @transform_5, window_bounds = array<i64: 1, 256>}, {pipeline_mode = #tpu.pipeline_mode<synchronous>, transform_indices = @transform_6, window_bounds = array<i64: 64, 256>}, {pipeline_mode = #tpu.pipeline_mode<synchronous>, transform_indices = @transform_7, window_bounds = array<i64: 1, 64>}, {pipeline_mode = #tpu.pipeline_mode<synchronous>, transform_indices = @transform_8, window_bounds = array<i64: 512, 64>}, {pipeline_mode = #tpu.pipeline_mode<synchronous>, transform_indices = @transform_9, window_bounds = array<i64: 1, 512>}, {pipeline_mode = #tpu.pipeline_mode<synchronous>, transform_indices = @transform_10, window_bounds = array<i64: 352, 512>}, {pipeline_mode = #tpu.pipeline_mode<synchronous>, transform_indices = @transform_11, window_bounds = array<i64: 256, 512>}, {pipeline_mode = #tpu.pipeline_mode<synchronous>, transform_indices = @transform_12, window_bounds = array<i64: 1, 256>}, {pipeline_mode = #tpu.pipeline_mode<synchronous>, transform_indices = @transform_13, window_bounds = array<i64: 128, 256>}, {pipeline_mode = #tpu.pipeline_mode<synchronous>, transform_indices = @transform_14, window_bounds = array<i64: 1, 128>}, {pipeline_mode = #tpu.pipeline_mode<synchronous>, transform_indices = @transform_15, window_bounds = array<i64: 352, 32>}, {pipeline_mode = #tpu.pipeline_mode<synchronous>, transform_indices = @transform_16, window_bounds = array<i64: 352, 32>}, {transform_indices = @transform_17, window_bounds = array<i64: 1024, 1>}]} {
    %get3A = arith.constant 0 : index
    %get3A_0 = arith.constant 0 : index
    %get3A_1 = vector.load %arg1[%get3A, %get3A_0] : memref<1024x128xf32, #tpu.memory_space<vmem>>, vector<1024x128xf32>
    %get3A_2 = arith.constant 0 : index
    %get3A_3 = arith.constant 0 : index
    %get3A_4 = vector.load %arg3[%get3A_2, %get3A_3] : memref<512x128xf32, #tpu.memory_space<vmem>>, vector<512x128xf32>
    %dot_general3A = arith.constant dense<0.000000e+00> : vector<1024x512xf32>
    %dot_general3A_5 = tpu.matmul %get3A_1, %get3A_4, %dot_general3A {dimension_numbers = #tpu.dot_dimension_numbers<[1], [1], [0], [0], [0, 0, 1, 0], [], []>, transpose_lhs_hint = false} : vector<1024x128xf32>, vector<512x128xf32>, vector<1024x512xf32> -> vector<1024x512xf32>
    %get3A_6 = arith.constant 0 : index
    %get3A_7 = arith.constant 0 : index
    %get3A_8 = vector.load %arg4[%get3A_6, %get3A_7] : memref<1x512xf32, #tpu.memory_space<vmem>>, vector<1x512xf32>
    %add3A = vector.broadcast %get3A_8 : vector<1x512xf32> to vector<1024x512xf32>
    %add3A_9 = arith.addf %dot_general3A_5, %add3A : vector<1024x512xf32>
    %max3A = arith.constant 0.000000e+00 : f32
    %max3A_10 = vector.broadcast %max3A : f32 to vector<1024x512xf32>
    %max3A_11 = arith.maximumf %add3A_9, %max3A_10 : vector<1024x512xf32>
    %get3A_12 = arith.constant 0 : index
    %get3A_13 = arith.constant 0 : index
    %get3A_14 = vector.load %arg5[%get3A_12, %get3A_13] : memref<256x512xf32, #tpu.memory_space<vmem>>, vector<256x512xf32>
    %dot_general3A_15 = arith.constant dense<0.000000e+00> : vector<1024x256xf32>
    %dot_general3A_16 = tpu.matmul %max3A_11, %get3A_14, %dot_general3A_15 {dimension_numbers = #tpu.dot_dimension_numbers<[1], [1], [0], [0], [0, 0, 1, 0], [], []>, transpose_lhs_hint = false} : vector<1024x512xf32>, vector<256x512xf32>, vector<1024x256xf32> -> vector<1024x256xf32>
    %get3A_17 = arith.constant 0 : index
    %get3A_18 = arith.constant 0 : index
    %get3A_19 = vector.load %arg6[%get3A_17, %get3A_18] : memref<1x256xf32, #tpu.memory_space<vmem>>, vector<1x256xf32>
    %add3A_20 = vector.broadcast %get3A_19 : vector<1x256xf32> to vector<1024x256xf32>
    %add3A_21 = arith.addf %dot_general3A_16, %add3A_20 : vector<1024x256xf32>
    %max3A_22 = arith.constant 0.000000e+00 : f32
    %max3A_23 = vector.broadcast %max3A_22 : f32 to vector<1024x256xf32>
    %max3A_24 = arith.maximumf %add3A_21, %max3A_23 : vector<1024x256xf32>
    %get3A_25 = arith.constant 0 : index
    %get3A_26 = arith.constant 0 : index
    %get3A_27 = vector.load %arg7[%get3A_25, %get3A_26] : memref<64x256xf32, #tpu.memory_space<vmem>>, vector<64x256xf32>
    %dot_general3A_28 = arith.constant dense<0.000000e+00> : vector<1024x64xf32>
    %dot_general3A_29 = tpu.matmul %max3A_24, %get3A_27, %dot_general3A_28 {dimension_numbers = #tpu.dot_dimension_numbers<[1], [1], [0], [0], [0, 0, 1, 0], [], []>, transpose_lhs_hint = false} : vector<1024x256xf32>, vector<64x256xf32>, vector<1024x64xf32> -> vector<1024x64xf32>
    %get3A_30 = arith.constant 0 : index
    %get3A_31 = arith.constant 0 : index
    %get3A_32 = vector.load %arg8[%get3A_30, %get3A_31] : memref<1x64xf32, #tpu.memory_space<vmem>>, vector<1x64xf32>
    %add3A_33 = vector.broadcast %get3A_32 : vector<1x64xf32> to vector<1024x64xf32>
    %add3A_34 = arith.addf %dot_general3A_29, %add3A_33 : vector<1024x64xf32>
    %max3A_35 = arith.constant 0.000000e+00 : f32
    %max3A_36 = vector.broadcast %max3A_35 : f32 to vector<1024x64xf32>
    %max3A_37 = arith.maximumf %add3A_34, %max3A_36 : vector<1024x64xf32>
    %get3A_38 = arith.constant 0 : index
    %get3A_39 = arith.constant 0 : index
    %get3A_40 = vector.load %arg9[%get3A_38, %get3A_39] : memref<512x64xf32, #tpu.memory_space<vmem>>, vector<512x64xf32>
    %dot_general3A_41 = arith.constant dense<0.000000e+00> : vector<1024x512xf32>
    %dot_general3A_42 = tpu.matmul %max3A_37, %get3A_40, %dot_general3A_41 {dimension_numbers = #tpu.dot_dimension_numbers<[1], [1], [0], [0], [0, 0, 1, 0], [], []>, transpose_lhs_hint = false} : vector<1024x64xf32>, vector<512x64xf32>, vector<1024x512xf32> -> vector<1024x512xf32>
    %get3A_43 = arith.constant 0 : index
    %get3A_44 = arith.constant 0 : index
    %get3A_45 = vector.load %arg10[%get3A_43, %get3A_44] : memref<1x512xf32, #tpu.memory_space<vmem>>, vector<1x512xf32>
    %add3A_46 = vector.broadcast %get3A_45 : vector<1x512xf32> to vector<1024x512xf32>
    %add3A_47 = arith.addf %dot_general3A_42, %add3A_46 : vector<1024x512xf32>
    %slice3A = vector.extract_strided_slice %max3A_37 {offsets = [1023, 0], sizes = [1, 64], strides = [1, 1]} : vector<1024x64xf32> to vector<1x64xf32>
    %get3A_48 = arith.constant 0 : index
    %get3A_49 = arith.constant 0 : index
    %get3A_50 = vector.load %arg2[%get3A_48, %get3A_49] : memref<26x64xf32, #tpu.memory_space<vmem>>, vector<26x64xf32>
    %broadcast_in_dim3A = arith.constant 0.000000e+00 : f32
    %broadcast_in_dim3A_51 = vector.broadcast %broadcast_in_dim3A : f32 to vector<5x64xf32>
    %concatenate3A = tpu.concatenate %slice3A, %get3A_50, %broadcast_in_dim3A_51 in 0 : vector<1x64xf32>, vector<26x64xf32>, vector<5x64xf32> -> vector<32x64xf32>
    %get3A_52 = arith.constant 0 : index
    %get3A_53 = arith.constant 0 : index
    %get3A_54 = vector.load %arg16[%get3A_52, %get3A_53] : memref<352x32xf32, #tpu.memory_space<vmem>>, vector<352x32xf32>
    %dot_general3A_55 = arith.constant dense<0.000000e+00> : vector<352x64xf32>
    %dot_general3A_56 = tpu.matmul %get3A_54, %concatenate3A, %dot_general3A_55 {dimension_numbers = #tpu.dot_dimension_numbers<[1], [0], [0], [1], [0, 0, 1, 1], [], []>, transpose_lhs_hint = false} : vector<352x32xf32>, vector<32x64xf32>, vector<352x64xf32> -> vector<352x64xf32>
    %get3A_57 = arith.constant 0 : index
    %get3A_58 = arith.constant 0 : index
    %get3A_59 = vector.load %arg17[%get3A_57, %get3A_58] : memref<352x32xf32, #tpu.memory_space<vmem>>, vector<352x32xf32>
    %dot_general3A_60 = arith.constant dense<0.000000e+00> : vector<352x64xf32>
    %dot_general3A_61 = tpu.matmul %get3A_59, %concatenate3A, %dot_general3A_60 {dimension_numbers = #tpu.dot_dimension_numbers<[1], [0], [0], [1], [0, 0, 1, 1], [], []>, transpose_lhs_hint = false} : vector<352x32xf32>, vector<32x64xf32>, vector<352x64xf32> -> vector<352x64xf32>
    %mul3A = arith.mulf %dot_general3A_56, %dot_general3A_61 : vector<352x64xf32>
    %get3A_62 = arith.constant 0 : index
    %get3A_63 = arith.constant 0 : index
    %get3A_64 = vector.load %arg11[%get3A_62, %get3A_63] : memref<352x512xf32, #tpu.memory_space<vmem>>, vector<352x512xf32>
    %dot_general3A_65 = arith.constant dense<0.000000e+00> : vector<64x512xf32>
    %dot_general3A_66 = tpu.matmul %mul3A, %get3A_64, %dot_general3A_65 {dimension_numbers = #tpu.dot_dimension_numbers<[0], [0], [1], [1], [0, 1, 1, 1], [], []>, transpose_lhs_hint = false} : vector<352x64xf32>, vector<352x512xf32>, vector<64x512xf32> -> vector<64x512xf32>
    %broadcast_in_dim3A_67 = arith.constant 1.000000e+00 : f32
    %broadcast_in_dim3A_68 = vector.broadcast %broadcast_in_dim3A_67 : f32 to vector<1x64xf32>
    %dot_general3A_69 = arith.constant dense<0.000000e+00> : vector<1x512xf32>
    %dot_general3A_70 = tpu.matmul %broadcast_in_dim3A_68, %dot_general3A_66, %dot_general3A_69 {dimension_numbers = #tpu.dot_dimension_numbers<[1], [0], [0], [1], [0, 0, 1, 1], [], []>, transpose_lhs_hint = false} : vector<1x64xf32>, vector<64x512xf32>, vector<1x512xf32> -> vector<1x512xf32>
    %eq3A = arith.constant 3 : i32
    %eq3A_71 = arith.cmpi eq, %arg0, %eq3A : i32
    %convert_element_type3A = arith.extui %eq3A_71 : i1 to i32
    %convert_element_type3A_72 = arith.sitofp %convert_element_type3A : i32 to f32
    %iota3A = tpu.iota {dimensions = array<i32: 0>} : vector<1024x512xi32>
    %eq3A_73 = arith.constant 1023 : i32
    %eq3A_74 = vector.broadcast %eq3A_73 : i32 to vector<1024x512xi32>
    %eq3A_75 = arith.cmpi eq, %iota3A, %eq3A_74 : vector<1024x512xi32>
    %convert_element_type3A_76 = arith.extui %eq3A_75 : vector<1024x512xi1> to vector<1024x512xi32>
    %convert_element_type3A_77 = arith.sitofp %convert_element_type3A_76 : vector<1024x512xi32> to vector<1024x512xf32>
    %mul3A_78 = vector.broadcast %convert_element_type3A_72 : f32 to vector<1x512xf32>
    %mul3A_79 = arith.mulf %dot_general3A_70, %mul3A_78 : vector<1x512xf32>
    %broadcast_in_dim3A_80 = vector.shape_cast %mul3A_79 : vector<1x512xf32> to vector<1x512xf32>
    %broadcast_in_dim3A_81 = vector.broadcast %broadcast_in_dim3A_80 : vector<1x512xf32> to vector<1024x512xf32>
    %mul3A_82 = arith.mulf %convert_element_type3A_77, %broadcast_in_dim3A_81 : vector<1024x512xf32>
    %add3A_83 = arith.addf %add3A_47, %mul3A_82 : vector<1024x512xf32>
    %max3A_84 = arith.constant 0.000000e+00 : f32
    %max3A_85 = vector.broadcast %max3A_84 : f32 to vector<1024x512xf32>
    %max3A_86 = arith.maximumf %add3A_83, %max3A_85 : vector<1024x512xf32>
    %get3A_87 = arith.constant 0 : index
    %get3A_88 = arith.constant 0 : index
    %get3A_89 = vector.load %arg12[%get3A_87, %get3A_88] : memref<256x512xf32, #tpu.memory_space<vmem>>, vector<256x512xf32>
    %dot_general3A_90 = arith.constant dense<0.000000e+00> : vector<1024x256xf32>
    %dot_general3A_91 = tpu.matmul %max3A_86, %get3A_89, %dot_general3A_90 {dimension_numbers = #tpu.dot_dimension_numbers<[1], [1], [0], [0], [0, 0, 1, 0], [], []>, transpose_lhs_hint = false} : vector<1024x512xf32>, vector<256x512xf32>, vector<1024x256xf32> -> vector<1024x256xf32>
    %get3A_92 = arith.constant 0 : index
    %get3A_93 = arith.constant 0 : index
    %get3A_94 = vector.load %arg13[%get3A_92, %get3A_93] : memref<1x256xf32, #tpu.memory_space<vmem>>, vector<1x256xf32>
    %add3A_95 = vector.broadcast %get3A_94 : vector<1x256xf32> to vector<1024x256xf32>
    %add3A_96 = arith.addf %dot_general3A_91, %add3A_95 : vector<1024x256xf32>
    %max3A_97 = arith.constant 0.000000e+00 : f32
    %max3A_98 = vector.broadcast %max3A_97 : f32 to vector<1024x256xf32>
    %max3A_99 = arith.maximumf %add3A_96, %max3A_98 : vector<1024x256xf32>
    %get3A_100 = arith.constant 0 : index
    %get3A_101 = arith.constant 0 : index
    %get3A_102 = vector.load %arg14[%get3A_100, %get3A_101] : memref<128x256xf32, #tpu.memory_space<vmem>>, vector<128x256xf32>
    %dot_general3A_103 = arith.constant dense<0.000000e+00> : vector<1024x128xf32>
    %dot_general3A_104 = tpu.matmul %max3A_99, %get3A_102, %dot_general3A_103 {dimension_numbers = #tpu.dot_dimension_numbers<[1], [1], [0], [0], [0, 0, 1, 0], [], []>, transpose_lhs_hint = false} : vector<1024x256xf32>, vector<128x256xf32>, vector<1024x128xf32> -> vector<1024x128xf32>
    %get3A_105 = arith.constant 0 : index
    %get3A_106 = arith.constant 0 : index
    %get3A_107 = vector.load %arg15[%get3A_105, %get3A_106] : memref<1x128xf32, #tpu.memory_space<vmem>>, vector<1x128xf32>
    %add3A_108 = vector.broadcast %get3A_107 : vector<1x128xf32> to vector<1024x128xf32>
    %add3A_109 = arith.addf %dot_general3A_104, %add3A_108 : vector<1024x128xf32>
    %neg3A = arith.constant 0.000000e+00 : f32
    %neg3A_110 = vector.broadcast %neg3A : f32 to vector<1024x128xf32>
    %neg3A_111 = arith.subf %neg3A_110, %add3A_109 : vector<1024x128xf32>
    %exp3A = math.exp %neg3A_111 : vector<1024x128xf32>
    %add3A_112 = arith.constant 1.000000e+00 : f32
    %add3A_113 = vector.broadcast %add3A_112 : f32 to vector<1024x128xf32>
    %add3A_114 = arith.addf %add3A_113, %exp3A : vector<1024x128xf32>
    %div3A = arith.constant 1.000000e+00 : f32
    %div3A_115 = vector.broadcast %div3A : f32 to vector<1024x128xf32>
    %div3A_116 = arith.divf %div3A_115, %add3A_114 : vector<1024x128xf32>
    %slice3A_117 = vector.extract_strided_slice %div3A_116 {offsets = [0, 0], sizes = [1024, 1], strides = [1, 1]} : vector<1024x128xf32> to vector<1024x1xf32>
    %swap3A = arith.constant 0 : index
    %swap3A_118 = arith.constant 0 : index
    %swap3A_119 = vector.load %arg18[%swap3A, %swap3A_118] : memref<1024x1xf32, #tpu.memory_space<vmem>>, vector<1024x1xf32>
    tpu.vector_store %arg18[%swap3A, %swap3A_118], %slice3A_117 {strides = array<i32>} : memref<1024x1xf32, #tpu.memory_space<vmem>>, vector<1024x1xf32>,
    return
  }
  func.func @transform_0(%arg0: i32) -> (i32, i32) {
    %c0_i32 = arith.constant 0 : i32
    %c0_i32_0 = arith.constant 0 : i32
    return %arg0, %c0_i32 : i32, i32
  }
  func.func @transform_1(%arg0: i32) -> (i32, i32) {
    %c0_i32 = arith.constant 0 : i32
    %c0_i32_0 = arith.constant 0 : i32
    %c0_i32_1 = arith.constant 0 : i32
    return %c0_i32, %c0_i32_0 : i32, i32
  }
  func.func @transform_2(%arg0: i32) -> (i32, i32) {
    %c0_i32 = arith.constant 0 : i32
    %c0_i32_0 = arith.constant 0 : i32
    %c0_i32_1 = arith.constant 0 : i32
    return %c0_i32, %c0_i32_0 : i32, i32
  }
  func.func @transform_3(%arg0: i32) -> (i32, i32) {
    %c0_i32 = arith.constant 0 : i32
    %c0_i32_0 = arith.constant 0 : i32
    %c0_i32_1 = arith.constant 0 : i32
    return %c0_i32, %c0_i32_0 : i32, i32
  }
  func.func @transform_4(%arg0: i32) -> (i32, i32) {
    %c0_i32 = arith.constant 0 : i32
    %c0_i32_0 = arith.constant 0 : i32
    %c0_i32_1 = arith.constant 0 : i32
    return %c0_i32, %c0_i32_0 : i32, i32
  }
  func.func @transform_5(%arg0: i32) -> (i32, i32) {
    %c0_i32 = arith.constant 0 : i32
    %c0_i32_0 = arith.constant 0 : i32
    %c0_i32_1 = arith.constant 0 : i32
    return %c0_i32, %c0_i32_0 : i32, i32
  }
  func.func @transform_6(%arg0: i32) -> (i32, i32) {
    %c0_i32 = arith.constant 0 : i32
    %c0_i32_0 = arith.constant 0 : i32
    %c0_i32_1 = arith.constant 0 : i32
    return %c0_i32, %c0_i32_0 : i32, i32
  }
  func.func @transform_7(%arg0: i32) -> (i32, i32) {
    %c0_i32 = arith.constant 0 : i32
    %c0_i32_0 = arith.constant 0 : i32
    %c0_i32_1 = arith.constant 0 : i32
    return %c0_i32, %c0_i32_0 : i32, i32
  }
  func.func @transform_8(%arg0: i32) -> (i32, i32) {
    %c0_i32 = arith.constant 0 : i32
    %c0_i32_0 = arith.constant 0 : i32
    %c0_i32_1 = arith.constant 0 : i32
    return %c0_i32, %c0_i32_0 : i32, i32
  }
  func.func @transform_9(%arg0: i32) -> (i32, i32) {
    %c0_i32 = arith.constant 0 : i32
    %c0_i32_0 = arith.constant 0 : i32
    %c0_i32_1 = arith.constant 0 : i32
    return %c0_i32, %c0_i32_0 : i32, i32
  }
  func.func @transform_10(%arg0: i32) -> (i32, i32) {
    %c0_i32 = arith.constant 0 : i32
    %c0_i32_0 = arith.constant 0 : i32
    %c0_i32_1 = arith.constant 0 : i32
    return %c0_i32, %c0_i32_0 : i32, i32
  }
  func.func @transform_11(%arg0: i32) -> (i32, i32) {
    %c0_i32 = arith.constant 0 : i32
    %c0_i32_0 = arith.constant 0 : i32
    %c0_i32_1 = arith.constant 0 : i32
    return %c0_i32, %c0_i32_0 : i32, i32
  }
  func.func @transform_12(%arg0: i32) -> (i32, i32) {
    %c0_i32 = arith.constant 0 : i32
    %c0_i32_0 = arith.constant 0 : i32
    %c0_i32_1 = arith.constant 0 : i32
    return %c0_i32, %c0_i32_0 : i32, i32
  }
  func.func @transform_13(%arg0: i32) -> (i32, i32) {
    %c0_i32 = arith.constant 0 : i32
    %c0_i32_0 = arith.constant 0 : i32
    %c0_i32_1 = arith.constant 0 : i32
    return %c0_i32, %c0_i32_0 : i32, i32
  }
  func.func @transform_14(%arg0: i32) -> (i32, i32) {
    %c0_i32 = arith.constant 0 : i32
    %c0_i32_0 = arith.constant 0 : i32
    %c0_i32_1 = arith.constant 0 : i32
    return %c0_i32, %c0_i32_0 : i32, i32
  }
  func.func @transform_15(%arg0: i32) -> (i32, i32) {
    %c0_i32 = arith.constant 0 : i32
    %c0_i32_0 = arith.constant 0 : i32
    %c0_i32_1 = arith.constant 0 : i32
    return %c0_i32, %c0_i32_0 : i32, i32
  }
  func.func @transform_16(%arg0: i32) -> (i32, i32) {
    %c0_i32 = arith.constant 0 : i32
    %c0_i32_0 = arith.constant 0 : i32
    %c0_i32_1 = arith.constant 0 : i32
    return %c0_i32, %c0_i32_0 : i32, i32
  }
  func.func @transform_17(%arg0: i32) -> (i32, i32) {
    %c0_i32 = arith.constant 0 : i32
    %c0_i32_0 = arith.constant 0 : i32
    return %arg0, %c0_i32 : i32, i32
  }
}

</mosaic_0001>

<sc_bundles>
// kernel: kernel.5.cloned.1.call-start
scs
__scs_entry_jumppad:
0x0: {  	(pc) =	sbr.rel $0x88, $3  }
0x1: {  	(tag) =	ssettag $0x0;
	lr =	simm.s32 $0x1  }
0x2: {  	[smem:$0x3F92] =	sst lr;
	_ =	strace $0xD0000000  }
0x3: {  	_ = 	snop  }
0x4: {  	_ = 	snop  }
0x5: {  	_ = 	snop  }
0x6: {  	_ = 	snop  }
0x7: {  	_ = 	snop  }
__scs_overlays_trampoline_lowered:
0x8: {  	[smem:$0x3FA1] =	sst s0  }
0x9: {  	[smem:$0x3FA2] =	sst s1  }
0xa: {  	[smem:$0x3FA3] =	sst s2  }
0xb: {  	[smem:$0x3FA4] =	sst s3  }
0xc: {  	[smem:$0x3FA5] =	sst s4  }
0xd: {  	[smem:$0x3FA6] =	sst s5  }
0xe: {  	[smem:$0x3FA7] =	sst s6  }
0xf: {  	[smem:$0x3FA8] =	sst s7  }
0x10: {  	[smem:$0x3FA9] =	sst s8  }
0x11: {  	[smem:$0x3FAA] =	sst s9;
	s0 =	simm.s32 @!p0 $0x0  }
0x12: {  	s1 =	sld [smem:$0x3F90];
	s0 =	simm.s32 @p0 $0x1  }
0x13: {  	[smem:$0x3FAB] =	sst s0;
	s0 =	simm.s32 @!p1 $0x0  }
0x14: {  	s2 =	sld [smem:$0x3F8F];
	s0 =	simm.s32 @p1 $0x1  }
0x15: {  	[smem:$0x3FAC] =	sst s0;
	s0 =	simm.s32 @!p2 $0x0  }
0x16: {  	s3 =	sld [smem:$0x3FDB];
	s0 =	simm.s32 @p2 $0x1  }
0x17: {  	s4 =	simm.s32 $0x1BF5;
	[smem:$0x3FAE] =	sst s0  }
0x18: {  	s0 =	sld [smem:$0x3F91];
	_ =	swait.ge [sflag:s4], $0x0  }
0x19: {  	s7 =	sld [smem:$0x3F92]  }
0x1a: {  	s8 =	sadd.s32 $0xFFFFE003, lr  }
0x1b: {  	s9 =	sadd.s32 $0xFFFFFEF7, lr;
	s5 =	simm.s32 $0xFFFFFFFF;
	p2 =	slt.u32 s8, $0xFFFFF086  }
0x1c: {  	p1 =	slt.u32 s9, $0xF7A;
	s5 =	simm.s32 @!p2 $0x0  }
0x1d: {  	s5 =	simm.s32 @p1 $0x1;
	p0 =	seq.s32 s7, s2  }
0x1e: {  	s7 =	smul.u32 @!p0 $0xF7A, s2;
	p2 =	seq.s32 @!p0 s5, $0x0  }
0x1f: {  	s9 =	smul.u32 $0xF7A, s1;
	s8 =	simm.s32 @!p0 $0x1BF5;
	p2 =	por !p2, p0  }
0x20: {  	[sflag:s8] =	ssyncset.s32 @!p0 $0xFFFFF086;
	s6 =	sadd.s32 @!p0 s3, s7;
	s7 =	simm.s32 @!p0 $0x108  }
0x21: {  	s3 =	sadd.s32 s3, s9;
	s6 =	sadd.s32 @!p0 $0x88, s6;
	s7 =	simm.s32 @p2 $0x1082  }
0x22: {  	[simem:s7], [sflag:s8] =	dma.local @!p0 [hbm:s6], $0xF7A  }
0x23: {  	s9 =	sor.u32 $0xD0000000, s2;
	s6 =	simm.s32 $0x108;
	_ =	swait.ge @!p0 [sflag:s8], $0x0  }
0x24: {  	s3 =	sadd.s32 $0x88, s3;
	s6 =	simm.s32 @!p1 $0x1082;
	[sflag:s4] =	ssyncset.s32 $0xFFFFF086  }
0x25: {  	[simem:s6], [sflag:s4] =	dma.local [hbm:s3], $0xF7A  }
0x26: {  	[smem:$0x3F92] =	sst s1;
	(tag) =	ssettag s2;
	_ =	strace s9  }
0x27: {  	s1 =	sld [smem:$0x3FA2]  }
0x28: {  	s2 =	sld [smem:$0x3FA3]  }
0x29: {  	s4 =	sld [smem:$0x3FA5]  }
0x2a: {  	p0 =	seq.s32 s5, $0x0;
	s5 =	sld [smem:$0x3FA6]  }
0x2b: {  	s6 =	sld [smem:$0x3FA7]  }
0x2c: {  	s7 =	sld [smem:$0x3FA8]  }
0x2d: {  	s3 =	simm.s32 $0x108;
	s8 =	sld [smem:$0x3FA9]  }
0x2e: {  	s3 =	simm.s32 @!p0 $0x1082;
	s9 =	sld [smem:$0x3FAA]  }
0x2f: {  	lr =	sadd.s32 s0, s3;
	s0 =	sld [smem:$0x3FA1]  }
0x30: {  	s3 =	sld [smem:$0x3FA4]  }
0x31: {  	[smem:$0x3FAD] =	sst s10  }
0x32: {  	s10 =	sld [smem:$0x3FAB];
	_ =	sdelay $0x3  }
0x33: {  	p0 =	seq.s32 s10, $0x1;
	s10 =	sld [smem:$0x3FAD];
	_ =	sdelay $0x3  }
0x34: {  	[smem:$0x3FAD] =	sst s10  }
0x35: {  	s10 =	sld [smem:$0x3FAC];
	_ =	sdelay $0x3  }
0x36: {  	p1 =	seq.s32 s10, $0x1;
	s10 =	sld [smem:$0x3FAD];
	_ =	sdelay $0x3  }
0x37: {  	[smem:$0x3FAD] =	sst s10  }
0x38: {  	s10 =	sld [smem:$0x3FAE]  }
0x39: {  	_ = 	snop;
	(pc) =	sbr.ind lr, $3  }
0x3a: {  	_ = 	snop  }
0x3b: {  	_ = 	snop  }
0x3c: {  	p2 =	seq.s32 s10, $0x1;
	s10 =	sld [smem:$0x3FAD]  }
0x3d: {  	_ =	shalt  }
0x3e: {  	_ =	shalt  }
0x3f: {  	_ =	shalt  }
0x40: {  	_ =	shalt  }
0x41: {  	_ =	shalt  }
0x42: {  	_ =	shalt  }
0x43: {  	_ =	shalt  }
0x44: {  	_ =	shalt  }
0x45: {  	_ =	shalt  }
0x46: {  	_ =	shalt  }
0x47: {  	_ =	shalt  }
0x48: {  	_ =	shalt  }
0x49: {  	_ =	shalt  }
0x4a: {  	_ =	shalt  }
0x4b: {  	_ =	shalt  }
0x4c: {  	_ =	shalt  }
0x4d: {  	_ =	shalt  }
0x4e: {  	_ =	shalt  }
0x4f: {  	_ =	shalt  }
0x50: {  	_ =	shalt  }
0x51: {  	_ =	shalt  }
0x52: {  	_ =	shalt  }
0x53: {  	_ =	shalt  }
0x54: {  	_ =	shalt  }
0x55: {  	_ =	shalt  }
0x56: {  	_ =	shalt  }
0x57: {  	_ =	shalt  }
0x58: {  	_ =	shalt  }
0x59: {  	_ =	shalt  }
0x5a: {  	_ =	shalt  }
0x5b: {  	_ =	shalt  }
0x5c: {  	_ =	shalt  }
0x5d: {  	_ =	shalt  }
0x5e: {  	_ =	shalt  }
0x5f: {  	_ =	shalt  }
0x60: {  	_ =	shalt  }
0x61: {  	_ =	shalt  }
0x62: {  	_ =	shalt  }
0x63: {  	_ =	shalt  }
0x64: {  	_ =	shalt  }
0x65: {  	_ =	shalt  }
0x66: {  	_ =	shalt  }
0x67: {  	_ =	shalt  }
0x68: {  	_ =	shalt  }
0x69: {  	_ =	shalt  }
0x6a: {  	_ =	shalt  }
0x6b: {  	_ =	shalt  }
0x6c: {  	_ =	shalt  }
0x6d: {  	_ =	shalt  }
0x6e: {  	_ =	shalt  }
0x6f: {  	_ =	shalt  }
0x70: {  	_ =	shalt  }
0x71: {  	_ =	shalt  }
0x72: {  	_ =	shalt  }
0x73: {  	_ =	shalt  }
0x74: {  	_ =	shalt  }
0x75: {  	_ =	shalt  }
0x76: {  	_ =	shalt  }
0x77: {  	_ =	shalt  }
0x78: {  	_ =	shalt  }
0x79: {  	_ =	shalt  }
0x7a: {  	_ =	shalt  }
0x7b: {  	_ =	shalt  }
0x7c: {  	_ =	shalt  }
0x7d: {  	_ =	shalt  }
0x7e: {  	_ =	shalt  }
0x7f: {  	_ =	shalt  }
0x80: {  	_ =	shalt  }
0x81: {  	_ =	shalt  }
0x82: {  	_ =	shalt  }
0x83: {  	_ =	shalt  }
0x84: {  	_ =	shalt  }
0x85: {  	_ =	shalt  }
0x86: {  	_ =	shalt  }
0x87: {  	_ =	shalt  }
.Lfunc_end0:
.L_simem_size_0:
called_computation_lowered:
.L_overlay_start_0:
0x88: {  	s2 =	sld [smem:$0x3FD9]  }
0x89: {  	s3 =	sld [smem:$0x3FFE];
	_ =	sdelay $0x1  }
0x8a: {  	s1 =	srdreg.scid  }
0x8b: {  	s0 =	sand.u32 $0x1, s1  }
0x8c: {  	s16 =	sshll.u32 s0, $0xA;
	s2 =	sadd.s32 s3, s2  }
0x8d: {  	s2 =	sadd.s32 s2, s16  }
0x8e: {  	[smem:$0x3FB9] =	sst s2  }
0x8f: {  	_ = 	snop  }
0x90: {  	(tm) =	ssettm $0x1  }
0x91: {  	s17 =	sld [smem:$0x3FFB];
	_ =	sdelay $0x3  }
0x92: {  	_ =	strace s17  }
0x93: {  	s2 =	sld [smem:$0x3FFC];
	_ =	sdelay $0x3  }
0x94: {  	_ =	strace s2  }
0x95: {  	s2 =	sld [smem:$0x3FFD];
	_ =	sdelay $0x3  }
0x96: {  	_ =	strace s2  }
0x97: {  	_ =	strace $0x8FFFFFFF  }
0x98: {  	s18 =	sld [smem:$0x3FDB];
	_ =	sdelay $0x1  }
0x99: {  	s19 =	simm.s32 $_scs_section_size  }
0x9a: {  	s4 =	simm.s32 $_size__tile_overlayer_lowered;
	s5 =	simm.s32 $_tile_overlayer_lowered  }
0x9b: {  	s22 =	simm.s32 $0x1BFF;
	s21 =	sshll.u32 s5, $0x1;
	s2 =	sadd.s32 s19, s18  }
0x9c: {  	s6 =	simm.s32 $0x0;
	s20 =	sshll.u32 s4, $0x1;
	s4 =	sadd.s32 s21, s2  }
0x9d: {  	[timem:s6], [sflag:s22] =	dma.local [hbm:s4], s20  }
0x9e: {  	_ =	swait.ge [sflag:s22], s20  }
0x9f: {  	s3 =	ssub.s32 $0x0, s20;
	[sflag:s22] =	ssyncset.done $0x0  }
0xa0: {  	[sflag:s22] =	ssyncadd.s32 s3;
	_ =	sdelay $0x1  }
0xa1: {  	s23 =	simm.s32 $0x1B8B  }
0xa2: {  	_ =	swait.ge [sflag:s23], $0x1  }
0xa3: {  	[sflag:s23] =	ssyncset.done $0x0  }
0xa4: {  	s25 =	simm.s32 $0x1B8E;
	s24 =	sld [smem:$0x3FFE];
	[sflag:s23] =	ssyncadd.s32 $0xFFFFFFFF  }
0xa5: {  	s26 =	simm.s32 $execute0_lowered;
	[smem:$0x3FD2] =	sst s25  }
0xa6: {  	s4 =	sshll.u32 s26, $0x1;
	_ =	strace $0x80000046;
	[dreg:$0x1] =	wrdreg $0xFFFFFFFF  }
0xa7: {  	s28 =	simm.s32 $_size_execute0_lowered;
	s2 =	sadd.s32 s2, s4;
	[dreg:$0x0] =	wrdreg $0x0  }
0xa8: {  	s4 =	sshll.u32 s28, $0x1;
	[dreg:$0x2] =	wrdreg s2  }
0xa9: {  	[dreg:$0x3] =	wrdreg s4  }
0xaa: {  	[dreg:$0x4] =	wrdreg $0xC0  }
0xab: {  	_ =	task [dreg:s6], $0x5FFFF  }
0xac: {  	[dreg:$0x1] =	wrdreg $0xFFFFFFFF  }
0xad: {  	[dreg:$0x0] =	wrdreg $0x60  }
0xae: {  	[dreg:$0x2] =	wrdreg s24  }
0xaf: {  	[dreg:$0x3] =	wrdreg $0x9  }
0xb0: {  	_ =	task.clear_ibuf [dreg:s6], $0x4FFFF;
	_ =	strace $0x90000046  }
0xb1: {  	s29 =	simm.s32 $0x9;
	_ =	strace $0x80000048  }
0xb2: {  	_ =	swait.ge [sflag:s29], $0x1  }
0xb3: {  	[sflag:s29] =	ssyncadd.s32 $0xFFFFFFFF  }
0xb4: {  	_ =	strace $0x90000048  }
0xb5: {  	_ =	sfence  }
0xb6: {  	s30 =	sld [smem:$0x0];
	_ =	sdelay $0x2  }
0xb7: {  	s31 =	sshll.u32 s1, $0xD;
	s1 =	sshrl.u32 s1, $0x2  }
0xb8: {  	s3 =	sand.u32 $0x4000, s31;
	s1 =	sadd.s32 s1, s30  }
0xb9: {  	s0 =	sor.u32 s3, s0;
	s1 =	sshll.u32 s1, $0x11  }
0xba: {  	s0 =	sor.u32 s1, s0  }
0xbb: {  	s0 =	sadd.s32 $0x8F2B, s0  }
0xbc: {  	[sflag:s0] =	ssyncadd.remote.s32 $0x1  }
0xbd: {  	_ =	sfence.sel $0xFFFF  }
0xbe: {  	[dreg:$0x0] =	wrdreg $0xFFFFFFFF;
	(pc) =	sbr.abs _section_cstart, $3  }
0xbf: {  	[dreg:$0x1] =	wrdreg $0xFFFFFFFF  }
0xc0: {  	_ =	task.clear_ibuf [dreg:s6], $0x2FFFF;
	_ =	strace $0x9FFFFFFF  }
0xc1: {  	(tm) =	ssettm $0x7FFFFFFF  }
tec
execute0_lowered:
.L_overlay_start_1:
0x0: {  	(tag) =	ssettag $0x1  }
0x1: {  	s1 =	stileid.u32  }
0x2: {  	p0 =	sgt.u32 s1, $0xC  }
.Ltmp0:
0x3: {  	_ = 	snop;
	(pc) =	sbr.rel @p0 .LBB2_7-.Ltmp0, $4  }
0x4: {  	_ = 	snop  }
0x5: {  	s3 =	rddreg [dreg:$0x0];
	s2 =	simm.s32 $0x0  }
0x6: {  	[smem:$0x7FF] =	sst s2  }
0x7: {  	s0 =	rddreg [dreg:$0x1];
	_ =	strace $0x80000047  }
0x8: {  	s4 =	srdreg.scid  }
0x9: {  	s5 =	sshll.u32 s1, $0x1;
	s4 =	sand.u32 $0x1, s4  }
0xa: {  	s7 =	sadd.s32 $0x3200, s3;
	s5 =	sor.u32 s4, s5;
	s4 =	ssub.s32 $0x2, s4  }
0xb: {  	s6 =	smul.u32 $0x3200, s5;
	s8 =	sshrl.u32 s4, $0x1;
	s31 =	sshll.u32 s5, $0x9  }
0xc: {  	s30 =	ssub.s32 s4, s8;
	s4 =	sadd.s32 s7, s31  }
0xd: {  	s7 =	simm.s32 $0x1000;
	s8 =	simm.s32 $0x0;
	s29 =	sadd.s32 s6, s3  }
0xe: {  	v0 =	vimm.f32 $0.0e+00;
	v1 =	vimm.f32 $1.000000000e+00;
	s5 =	smax.u32 s30, $0x1;
	s6 =	simm.s32 $0x1;
	s3 =	sadd.s32 $0x6600, s29  }
.LBB2_2:
0xf: {  	s9 =	simm.s32 $0x0  }
0x10: {  	[tilespmem:s9], [sflag:$0x1] =	stream.linear.gather [hbm4b:s4+s9], $0x1000, $0x38;
	[tilespmem:$0x1A000] =	vst v63  }
0x11: {  	_ =	swait.ge [sflag:s6], $0x1000  }
0x12: {  	[sflag:s6] =	ssyncset.done $0x0  }
0x13: {  	s10 =	simm.s32 $0x200;
	s9 =	simm.s32 $0x0;
	[sflag:s6] =	ssyncadd.s32 $0xFFFFF000  }
.LBB2_3:
0x14: {  	p0 =	sne.s32 s10, $0x63E00;
	[tilespmem:s9+$0x1070] =	vst v0  }
0x15: {  	[tilespmem:s9+$0x1000] =	vst v0  }
0x16: {  	[tilespmem:s9+$0x1010] =	vst v0  }
.Ltmp1:
0x17: {  	[tilespmem:s9+$0x1020] =	vst v0;
	(pc) =	sbr.rel @p0 .LBB2_3-.Ltmp1, $4  }
0x18: {  	[tilespmem:s9+$0x1030] =	vst v0  }
0x19: {  	[tilespmem:s9+$0x1040] =	vst v0  }
0x1a: {  	[tilespmem:s9+$0x1050] =	vst v0  }
0x1b: {  	[tilespmem:s9+$0x1060] =	vst v0;
	s9 =	sshra.s32 s10, $0x2;
	s10 =	sadd.s32 $0x200, s10  }
0x1c: {  	[tilespmem:s9+$0x1070] =	vst v0  }
0x1d: {  	[tilespmem:s9+$0x1000] =	vst v0  }
0x1e: {  	[tilespmem:s9+$0x1010] =	vst v0  }
0x1f: {  	[tilespmem:s9+$0x1020] =	vst v0  }
0x20: {  	[tilespmem:s9+$0x1030] =	vst v0  }
0x21: {  	[tilespmem:s9+$0x1040] =	vst v0  }
0x22: {  	[tilespmem:s9+$0x1050] =	vst v0  }
0x23: {  	[tilespmem:s9+$0x1060] =	vst v0;
	s10 =	simm.s32 $0x0;
	s9 =	simm.s32 $0x40  }
.LBB2_5:
0x24: {  	p0 =	sne.s32 s9, $0x3FC0;
	v2 =	vld [tilespmem:s10+$0x0];
	_ =	sdelay $0x3  }
.Ltmp2:
0x25: {  	(pc) =	sbr.rel @p0 .LBB2_5-.Ltmp2, $2  }
0x26: {  	_ =	sdelay $0x2  }
0x27: {  	s10 =	sshra.s32 s9, $0x2;
	s9 =	sadd.s32 $0x40, s9;
	[tilespmem:v2+s7+$0x0] =	vst.idx.add.f32.msk $0xffff, v1  }
0x28: {  	v2 =	vld [tilespmem:s10+$0x0];
	_ =	sdelay $0x5  }
0x29: {  	s8 =	sadd.s32 $0x1, s8  }
0x2a: {  	p0 =	sne.s32 s8, s5  }
.Ltmp3:
0x2b: {  	[tilespmem:v2+s7+$0x0] =	vst.idx.add.f32.msk $0xffff, v1;
	(pc) =	sbr.rel @p0 .LBB2_2-.Ltmp3, $4  }
0x2c: {  	[hbm4b:s3+s2] =	stream.linear.scatter [tilespmem:s7], [sflag:$0x1], $0x19000, $0x38;
	[tilespmem:$0x1A000] =	vst v63  }
0x2d: {  	_ =	swait.ge [sflag:s6], $0x19000  }
0x2e: {  	[sflag:s6] =	ssyncset.done $0x0  }
0x2f: {  	[sflag:s6] =	ssyncadd.s32 $0xFFFE7000  }
.LBB2_7:
0x30: {  	_ =	sfence.sel $0x180000  }
0x31: {  	[bflag:$0x0] =	sbarrier.arrive $0xFFFF  }
0x32: {  	p0 =	sne.s32 s1, $0x0;
	_ =	strace $0x90000047  }
0x33: {  	s0 =	sadd.s32 @!p0 $0x100000, s0;
	[bflag:$0x2] =	sbarrier.arrive $0xFFFF  }
0x34: {  	[sflag:s0] =	ssyncadd.tile.s32 @!p0 $0x1;
	_ =	shalt  }
.Lfunc_end2:
_tile_overlayer_lowered:
.L_overlay_start_2:
0x35: {  	(tag) =	ssettag $0x2  }
0x36: {  	s0 =	rddreg [dreg:$0x0];
	s2 =	stileid.u32  }
0x37: {  	s1 =	rddreg [dreg:$0x1];
	p0 =	sne.s32 s2, $0x0  }
0x38: {  	s3 =	rddreg [dreg:$0x2];
	[bflag:$0x3] =	sbarrier.arrive $0xFFFF;
	s2 =	simm.s32 @!p0 $0x1C01  }
0x39: {  	[timem:s3], [sflag:s2] =	dma.local @!p0 [hbm:s0], s1  }
0x3a: {  	s0 =	simm.s32 @!p0 $0x1  }
0x3b: {  	_ =	swait.ge @!p0 [sflag:s0], s1  }
0x3c: {  	s1 =	ssub.s32 @!p0 $0x0, s1;
	[sflag:s0] =	ssyncset.done @!p0 $0x0  }
0x3d: {  	[sflag:s0] =	ssyncadd.s32 @!p0 s1  }
0x3e: {  	[bflag:$0x3] =	sbarrier.arrive $0xFFFF  }
0x3f: {  	_ =	shalt  }

</sc_bundles>
